<compile_context>
chip_gen: v7x
topology: tpu7x:2x2x1
jax: 0.10.2.dev20260603
libtpu: 0.0.44.dev20260713+nightly
codegen_flags: <defaults>
</compile_context>

<pallas_src>
import functools

import jax
import jax.numpy as jnp
from jax import lax
from jax.experimental import pallas as pl
from jax.experimental.pallas import tpu as pltpu
from jax.experimental.pallas import tpu_sc as plsc

_M = 4096
_N = 5000
_NUM_CLASSES = 600
_IN_SIZE = 256 * 7 * 7
_REP = 1024

_TM = 2048
_TF = 1024
_TK = 896
_NM = _M // _TM
_NK = _IN_SIZE // _TK
_NF = _TM // _TF

def _pair_gather(scores, labels, pairs):
    info = plsc.get_sparse_core_info()
    nc, ns, lanes = info.num_cores, info.num_subcores, info.num_lanes
    chunk = _M // (nc * ns)

    def body(scores_hbm, labels_hbm, pairs_hbm,
             prod_hbm, cls_hbm,
             scores_v, labels_v, pairs_v, prod_v, cls_v,
             s0, s1, s2, s3, s4):
        wid = lax.axis_index("s") * nc + lax.axis_index("c")
        base = wid * chunk
        c0 = pltpu.make_async_copy(scores_hbm, scores_v, s0)
        c1 = pltpu.make_async_copy(labels_hbm, labels_v, s1)
        c2 = pltpu.make_async_copy(pairs_hbm.at[pl.ds(base, chunk)], pairs_v, s2)
        c0.start()
        c1.start()
        c2.start()
        c0.wait()
        c1.wait()
        c2.wait()
        col0 = jnp.zeros((lanes,), jnp.int32)
        col1 = jnp.ones((lanes,), jnp.int32)
        for j in range(chunk // lanes):
            sl = pl.ds(j * lanes, lanes)
            rows = lax.iota(jnp.int32, lanes) + j * lanes
            hi = plsc.load_gather(pairs_v, [rows, col0])
            oi = plsc.load_gather(pairs_v, [rows, col1])
            s_h = plsc.load_gather(scores_v, [hi])
            s_o = plsc.load_gather(scores_v, [oi])
            lab = plsc.load_gather(labels_v, [oi])
            prod_v[sl] = s_h * s_o
            cls_v[sl] = lab
        c3 = pltpu.make_async_copy(prod_v, prod_hbm.at[pl.ds(base, chunk)], s3)
        c4 = pltpu.make_async_copy(cls_v, cls_hbm.at[pl.ds(base, chunk)], s4)
        c3.start()
        c4.start()
        c3.wait()
        c4.wait()

    fn = functools.partial(
        pl.kernel,
        mesh=plsc.VectorSubcoreMesh(core_axis_name="c", subcore_axis_name="s"),
        compiler_params=pltpu.CompilerParams(needs_layout_passes=False),
        out_type=[jax.ShapeDtypeStruct((_M,), jnp.float32),
                  jax.ShapeDtypeStruct((_M,), jnp.int32)],
        scratch_types=[
            pltpu.VMEM((_N,), jnp.float32),
            pltpu.VMEM((_N,), jnp.int32),
            pltpu.VMEM((chunk, 2), jnp.int32),
            pltpu.VMEM((chunk,), jnp.float32),
            pltpu.VMEM((chunk,), jnp.int32),
            pltpu.SemaphoreType.DMA,
            pltpu.SemaphoreType.DMA,
            pltpu.SemaphoreType.DMA,
            pltpu.SemaphoreType.DMA,
            pltpu.SemaphoreType.DMA,
        ],
    )(body)
    return fn(scores, labels, pairs)


def _mlp_body(prod_ref, cls_ref, x_ref, w1_ref, b1_ref, w2_ref, b2_ref,
              w3t_ref, b3_ref, out_hbm, acc_ref, ob0, ob1, sem0, sem1):
    k = pl.program_id(0)
    m = pl.program_id(1)
    mrows = pl.ds(m * _TM, _TM)

    xb = x_ref[...].astype(jnp.bfloat16)
    wb = w1_ref[...].astype(jnp.bfloat16)
    partial = jnp.dot(xb, wb, preferred_element_type=jnp.float32)

    @pl.when(k == 0)
    def _first():
        acc_ref[mrows, :] = partial

    @pl.when(k > 0)
    def _accum():
        acc_ref[mrows, :] += partial

    @pl.when(k == _NK - 1)
    def _finalize():
        w2b = w2_ref[...].astype(jnp.bfloat16)
        w3b = w3t_ref[...].astype(jnp.bfloat16)
        cols = lax.broadcasted_iota(jnp.int32, (_NUM_CLASSES, _TF), 0)
        bufs = (ob0, ob1)
        sems = (sem0, sem1)
        copies = [None] * _NF
        for c in range(_NF):
            base = m * _TM + c * _TF
            pairs = pl.ds(base, _TF)
            b = c % 2
            if c >= 2:
                copies[c - 2].wait()
            h1 = jnp.maximum(acc_ref[pairs, :] + b1_ref[...], 0.0)
            h1 = h1.astype(jnp.bfloat16)
            h2 = jnp.maximum(
                jnp.dot(h1, w2b, preferred_element_type=jnp.float32)
                + b2_ref[...], 0.0).astype(jnp.bfloat16)
            logits = (lax.dot_general(w3b, h2, (((1,), (1,)), ((), ())),
                                      preferred_element_type=jnp.float32)
                      + b3_ref[...])
            p = jax.nn.sigmoid(logits)
            clsv = cls_ref[pairs]
            prodv = prod_ref[pairs]
            bufs[b][...] = jnp.where(
                cols == clsv[None, :], p * prodv[None, :], 0.0)
            cp = pltpu.make_async_copy(bufs[b], out_hbm.at[:, pairs], sems[b])
            cp.start()
            copies[c] = cp
        copies[_NF - 2].wait()
        copies[_NF - 1].wait()


def _mlp_call(prod, cls, x, W1, b1c, W2, b2c, W3t, b3c):
    return pl.pallas_call(
        _mlp_body,
        grid=(_NK, _NM),
        in_specs=[
            pl.BlockSpec((_M,), lambda k, m: (0,)),
            pl.BlockSpec((_M,), lambda k, m: (0,)),
            pl.BlockSpec((_TM, _TK), lambda k, m: (m, k)),
            pl.BlockSpec((_TK, _REP), lambda k, m: (k, 0)),
            pl.BlockSpec((1, _REP), lambda k, m: (0, 0)),
            pl.BlockSpec((_REP, _REP), lambda k, m: (0, 0)),
            pl.BlockSpec((1, _REP), lambda k, m: (0, 0)),
            pl.BlockSpec((_NUM_CLASSES, _REP), lambda k, m: (0, 0)),
            pl.BlockSpec((_NUM_CLASSES, 1), lambda k, m: (0, 0)),
        ],
        out_specs=pl.BlockSpec(memory_space=pltpu.MemorySpace.HBM),
        out_shape=jax.ShapeDtypeStruct((_NUM_CLASSES, _M), jnp.float32),
        scratch_shapes=[
            pltpu.VMEM((_M, _REP), jnp.float32),
            pltpu.VMEM((_NUM_CLASSES, _TF), jnp.float32),
            pltpu.VMEM((_NUM_CLASSES, _TF), jnp.float32),
            pltpu.SemaphoreType.DMA,
            pltpu.SemaphoreType.DMA,
        ],
        compiler_params=pltpu.CompilerParams(
            dimension_semantics=("arbitrary", "arbitrary"),
            vmem_limit_bytes=64 * 1024 * 1024,
        ),
    )(prod, cls, x, W1, b1c, W2, b2c, W3t, b3c)


def kernel(pooled_features, scores, labels, paired_idx, W1, b1, W2, b2, W3, b3):
    prod, cls = _pair_gather(scores, labels.astype(jnp.int32),
                             paired_idx.astype(jnp.int32))
    out_t = _mlp_call(
        prod, cls, pooled_features,
        W1, b1.reshape(1, _REP), W2, b2.reshape(1, _REP),
        W3.T, b3.reshape(_NUM_CLASSES, 1))
    return out_t.T

# --- scband reference (transcript-rebuilt; emitter-appended) ---
"""Pipeline reference for scband-interaction-head-57208964383528 (READ-ONLY COPY).

The authoritative reference and input builder live on the scoring server;
editing this copy changes nothing except your own understanding.
"""

import jax, jax.numpy as jnp
import numpy as np

M = 4096
N = 5000
NUM_CLASSES = 600
IN_SIZE = 256 * 7 * 7
REP = 1024
NUM_OBJ = 80

def setup_inputs(seed: int = 0) -> dict:
    key = jax.random.key(seed)
    ks = jax.random.split(key, 10)
    pooled_features = jax.random.normal(ks[0], (M, IN_SIZE), dtype=jnp.float32)
    scores = jax.random.uniform(ks[1], (N,), dtype=jnp.float32)
    labels = jax.random.randint(ks[2], (N,), 0, NUM_OBJ)
    paired_idx = jax.random.randint(ks[3], (M, 2), 0, N)
    W1 = jax.random.normal(ks[4], (IN_SIZE, REP), dtype=jnp.float32) * 0.02
    b1 = jnp.zeros((REP,), dtype=jnp.float32)
    W2 = jax.random.normal(ks[5], (REP, REP), dtype=jnp.float32) * 0.02
    b2 = jnp.zeros((REP,), dtype=jnp.float32)
    W3 = jax.random.normal(ks[6], (REP, NUM_CLASSES), dtype=jnp.float32) * 0.02
    b3 = jnp.zeros((NUM_CLASSES,), dtype=jnp.float32)
    return dict(pooled_features=pooled_features, scores=scores, labels=labels,
                paired_idx=paired_idx, W1=W1, b1=b1, W2=W2, b2=b2, W3=W3, b3=b3)

def reference(pooled_features, scores, labels, paired_idx, W1, b1, W2, b2, W3, b3):
    # box_pair_head: Linear -> ReLU -> Linear -> ReLU
    h = jax.nn.relu(pooled_features @ W1 + b1)
    h = jax.nn.relu(h @ W2 + b2)
    # box_pair_logistic
    logits = h @ W3 + b3
    # map_object_scores_to_interaction_scores
    h_idx = paired_idx[:, 0]
    o_idx = paired_idx[:, 1]
    prod = jnp.take(scores, h_idx) * jnp.take(scores, o_idx)
    obj_cls = jnp.take(labels, o_idx)
    # object_class_to_target_class is identity mapping (obj class i -> HOI class i) per init config
    mapped_scores = jnp.zeros((M, NUM_CLASSES), dtype=scores.dtype).at[jnp.arange(M), obj_cls].set(prod)
    # final interaction scores: classifier probability modulated by detection prior
    return jax.nn.sigmoid(logits) * mapped_scores

if __name__ == "__main__":
    import jax
    _d = setup_inputs()
    print(jax.jit(kernel)(*tuple(_d.values())))

</pallas_src>

<mosaic_0001>
#map = affine_map<(d0, d1) -> (0)>
#map1 = affine_map<(d0, d1) -> (0, 0)>
module attributes {stable_mosaic.version = 14 : i64} {
  func.func @body(%arg0: i32, %arg1: i32, %arg2: memref<5000xf32, #tpu.memory_space<hbm>>, %arg3: memref<5000xi32, #tpu.memory_space<hbm>>, %arg4: memref<4096x2xi32, #tpu.memory_space<hbm>>, %arg5: memref<4096xf32, #tpu.memory_space<hbm>>, %arg6: memref<4096xi32, #tpu.memory_space<hbm>>, %arg7: memref<5000xf32, #tpu.memory_space<vmem>>, %arg8: memref<5000xi32, #tpu.memory_space<vmem>>, %arg9: memref<128x2xi32, #tpu.memory_space<vmem>>, %arg10: memref<128xf32, #tpu.memory_space<vmem>>, %arg11: memref<128xi32, #tpu.memory_space<vmem>>, %arg12: memref<!tpu.dma_semaphore, #tpu.memory_space<semaphore_mem>>, %arg13: memref<!tpu.dma_semaphore, #tpu.memory_space<semaphore_mem>>, %arg14: memref<!tpu.dma_semaphore, #tpu.memory_space<semaphore_mem>>, %arg15: memref<!tpu.dma_semaphore, #tpu.memory_space<semaphore_mem>>, %arg16: memref<!tpu.dma_semaphore, #tpu.memory_space<semaphore_mem>>) attributes {dimension_semantics = [#tpu.dimension_semantics<core_parallel>, #tpu.dimension_semantics<subcore_parallel>], iteration_bounds = array<i64: 2, 16>, scalar_prefetch = 0 : i64, scratch_operands = 10 : i64, tpu.core_type = #tpu.core_type<sc_vector_subcore>, window_params = [{transform_indices = #map}, {transform_indices = #map}, {transform_indices = #map1}, {transform_indices = #map}, {transform_indices = #map}]} {
    %mul3A = arith.constant 2 : i32
    %mul3A_0 = arith.muli %arg1, %mul3A : i32
    %add3A = arith.addi %mul3A_0, %arg0 : i32
    %mul3A_1 = arith.constant 128 : i32
    %mul3A_2 = arith.muli %add3A, %mul3A_1 : i32
    tpu.enqueue_dma source(%arg2 : memref<5000xf32, #tpu.memory_space<hbm>>) target(%arg7 : memref<5000xf32, #tpu.memory_space<vmem>>) target_semaphore(%arg12 : memref<!tpu.dma_semaphore, #tpu.memory_space<semaphore_mem>>)
    tpu.enqueue_dma source(%arg3 : memref<5000xi32, #tpu.memory_space<hbm>>) target(%arg8 : memref<5000xi32, #tpu.memory_space<vmem>>) target_semaphore(%arg13 : memref<!tpu.dma_semaphore, #tpu.memory_space<semaphore_mem>>)
    %dma_start3A = arith.constant 0 : i32
    %dma_start3A_3 = tpu.memref_slice %arg4[%mul3A_2, %dma_start3A] : memref<4096x2xi32, #tpu.memory_space<hbm>> -> memref<128x2xi32, #tpu.memory_space<hbm>>
    %dma_start3A_4 = arith.constant 0 : i32
    %dma_start3A_5 = tpu.memref_slice %arg4[%mul3A_2, %dma_start3A_4] : memref<4096x2xi32, #tpu.memory_space<hbm>> -> memref<128x2xi32, #tpu.memory_space<hbm>>
    tpu.enqueue_dma source(%dma_start3A_5 : memref<128x2xi32, #tpu.memory_space<hbm>>) target(%arg9 : memref<128x2xi32, #tpu.memory_space<vmem>>) target_semaphore(%arg14 : memref<!tpu.dma_semaphore, #tpu.memory_space<semaphore_mem>>)
    tpu.wait_dma2 semaphore(%arg12 : memref<!tpu.dma_semaphore, #tpu.memory_space<semaphore_mem>>) src(%arg2 : memref<5000xf32, #tpu.memory_space<hbm>>) dst(%arg7 : memref<5000xf32, #tpu.memory_space<vmem>>)
    tpu.wait_dma2 semaphore(%arg13 : memref<!tpu.dma_semaphore, #tpu.memory_space<semaphore_mem>>) src(%arg3 : memref<5000xi32, #tpu.memory_space<hbm>>) dst(%arg8 : memref<5000xi32, #tpu.memory_space<vmem>>)
    %dma_wait3A = arith.constant 0 : i32
    %dma_wait3A_6 = tpu.memref_slice %arg4[%mul3A_2, %dma_wait3A] : memref<4096x2xi32, #tpu.memory_space<hbm>> -> memref<128x2xi32, #tpu.memory_space<hbm>>
    %dma_wait3A_7 = arith.constant 0 : i32
    %dma_wait3A_8 = tpu.memref_slice %arg4[%mul3A_2, %dma_wait3A_7] : memref<4096x2xi32, #tpu.memory_space<hbm>> -> memref<128x2xi32, #tpu.memory_space<hbm>>
    tpu.wait_dma2 semaphore(%arg14 : memref<!tpu.dma_semaphore, #tpu.memory_space<semaphore_mem>>) src(%dma_wait3A_8 : memref<128x2xi32, #tpu.memory_space<hbm>>) dst(%arg9 : memref<128x2xi32, #tpu.memory_space<vmem>>)
    %broadcast_in_dim3A = arith.constant 0 : i32
    %broadcast_in_dim3A_9 = vector.broadcast %broadcast_in_dim3A : i32 to vector<16xi32>
    %broadcast_in_dim3A_10 = arith.constant 1 : i32
    %broadcast_in_dim3A_11 = vector.broadcast %broadcast_in_dim3A_10 : i32 to vector<16xi32>
    %iota3A = tpu.iota {dimensions = array<i32: 0>} : vector<16xi32>
    %add3A_12 = arith.constant 0 : i32
    %add3A_13 = vector.broadcast %add3A_12 : i32 to vector<16xi32>
    %add3A_14 = arith.addi %iota3A, %add3A_13 : vector<16xi32>
    %gather3A = tpu.vector_load_idx %arg9[%add3A_14, %broadcast_in_dim3A_9] : memref<128x2xi32, #tpu.memory_space<vmem>>[vector<16xi32>, vector<16xi32>], vector<16xi32>,
    %gather3A_15 = tpu.vector_load_idx %arg9[%add3A_14, %broadcast_in_dim3A_11] : memref<128x2xi32, #tpu.memory_space<vmem>>[vector<16xi32>, vector<16xi32>], vector<16xi32>,
    %gather3A_16 = tpu.vector_load_idx %arg7[%gather3A] : memref<5000xf32, #tpu.memory_space<vmem>>[vector<16xi32>], vector<16xf32>,
    %gather3A_17 = tpu.vector_load_idx %arg7[%gather3A_15] : memref<5000xf32, #tpu.memory_space<vmem>>[vector<16xi32>], vector<16xf32>,
    %gather3A_18 = tpu.vector_load_idx %arg8[%gather3A_15] : memref<5000xi32, #tpu.memory_space<vmem>>[vector<16xi32>], vector<16xi32>,
    %mul3A_19 = arith.mulf %gather3A_16, %gather3A_17 : vector<16xf32>
    %swap3A = arith.constant 0 : index
    %swap3A_20 = tpu.vector_load %arg10[%swap3A] {strides = array<i32>} : memref<128xf32, #tpu.memory_space<vmem>>, vector<16xf32>,
    tpu.vector_store %arg10[%swap3A], %mul3A_19 {strides = array<i32>} : memref<128xf32, #tpu.memory_space<vmem>>, vector<16xf32>,
    %swap3A_21 = arith.constant 0 : index
    %swap3A_22 = tpu.vector_load %arg11[%swap3A_21] {strides = array<i32>} : memref<128xi32, #tpu.memory_space<vmem>>, vector<16xi32>,
    tpu.vector_store %arg11[%swap3A_21], %gather3A_18 {strides = array<i32>} : memref<128xi32, #tpu.memory_space<vmem>>, vector<16xi32>,
    %iota3A_23 = tpu.iota {dimensions = array<i32: 0>} : vector<16xi32>
    %add3A_24 = arith.constant 16 : i32
    %add3A_25 = vector.broadcast %add3A_24 : i32 to vector<16xi32>
    %add3A_26 = arith.addi %iota3A_23, %add3A_25 : vector<16xi32>
    %gather3A_27 = tpu.vector_load_idx %arg9[%add3A_26, %broadcast_in_dim3A_9] : memref<128x2xi32, #tpu.memory_space<vmem>>[vector<16xi32>, vector<16xi32>], vector<16xi32>,
    %gather3A_28 = tpu.vector_load_idx %arg9[%add3A_26, %broadcast_in_dim3A_11] : memref<128x2xi32, #tpu.memory_space<vmem>>[vector<16xi32>, vector<16xi32>], vector<16xi32>,
    %gather3A_29 = tpu.vector_load_idx %arg7[%gather3A_27] : memref<5000xf32, #tpu.memory_space<vmem>>[vector<16xi32>], vector<16xf32>,
    %gather3A_30 = tpu.vector_load_idx %arg7[%gather3A_28] : memref<5000xf32, #tpu.memory_space<vmem>>[vector<16xi32>], vector<16xf32>,
    %gather3A_31 = tpu.vector_load_idx %arg8[%gather3A_28] : memref<5000xi32, #tpu.memory_space<vmem>>[vector<16xi32>], vector<16xi32>,
    %mul3A_32 = arith.mulf %gather3A_29, %gather3A_30 : vector<16xf32>
    %swap3A_33 = arith.constant 16 : index
    %swap3A_34 = tpu.vector_load %arg10[%swap3A_33] {strides = array<i32>} : memref<128xf32, #tpu.memory_space<vmem>>, vector<16xf32>,
    tpu.vector_store %arg10[%swap3A_33], %mul3A_32 {strides = array<i32>} : memref<128xf32, #tpu.memory_space<vmem>>, vector<16xf32>,
    %swap3A_35 = arith.constant 16 : index
    %swap3A_36 = tpu.vector_load %arg11[%swap3A_35] {strides = array<i32>} : memref<128xi32, #tpu.memory_space<vmem>>, vector<16xi32>,
    tpu.vector_store %arg11[%swap3A_35], %gather3A_31 {strides = array<i32>} : memref<128xi32, #tpu.memory_space<vmem>>, vector<16xi32>,
    %iota3A_37 = tpu.iota {dimensions = array<i32: 0>} : vector<16xi32>
    %add3A_38 = arith.constant 32 : i32
    %add3A_39 = vector.broadcast %add3A_38 : i32 to vector<16xi32>
    %add3A_40 = arith.addi %iota3A_37, %add3A_39 : vector<16xi32>
    %gather3A_41 = tpu.vector_load_idx %arg9[%add3A_40, %broadcast_in_dim3A_9] : memref<128x2xi32, #tpu.memory_space<vmem>>[vector<16xi32>, vector<16xi32>], vector<16xi32>,
    %gather3A_42 = tpu.vector_load_idx %arg9[%add3A_40, %broadcast_in_dim3A_11] : memref<128x2xi32, #tpu.memory_space<vmem>>[vector<16xi32>, vector<16xi32>], vector<16xi32>,
    %gather3A_43 = tpu.vector_load_idx %arg7[%gather3A_41] : memref<5000xf32, #tpu.memory_space<vmem>>[vector<16xi32>], vector<16xf32>,
    %gather3A_44 = tpu.vector_load_idx %arg7[%gather3A_42] : memref<5000xf32, #tpu.memory_space<vmem>>[vector<16xi32>], vector<16xf32>,
    %gather3A_45 = tpu.vector_load_idx %arg8[%gather3A_42] : memref<5000xi32, #tpu.memory_space<vmem>>[vector<16xi32>], vector<16xi32>,
    %mul3A_46 = arith.mulf %gather3A_43, %gather3A_44 : vector<16xf32>
    %swap3A_47 = arith.constant 32 : index
    %swap3A_48 = tpu.vector_load %arg10[%swap3A_47] {strides = array<i32>} : memref<128xf32, #tpu.memory_space<vmem>>, vector<16xf32>,
    tpu.vector_store %arg10[%swap3A_47], %mul3A_46 {strides = array<i32>} : memref<128xf32, #tpu.memory_space<vmem>>, vector<16xf32>,
    %swap3A_49 = arith.constant 32 : index
    %swap3A_50 = tpu.vector_load %arg11[%swap3A_49] {strides = array<i32>} : memref<128xi32, #tpu.memory_space<vmem>>, vector<16xi32>,
    tpu.vector_store %arg11[%swap3A_49], %gather3A_45 {strides = array<i32>} : memref<128xi32, #tpu.memory_space<vmem>>, vector<16xi32>,
    %iota3A_51 = tpu.iota {dimensions = array<i32: 0>} : vector<16xi32>
    %add3A_52 = arith.constant 48 : i32
    %add3A_53 = vector.broadcast %add3A_52 : i32 to vector<16xi32>
    %add3A_54 = arith.addi %iota3A_51, %add3A_53 : vector<16xi32>
    %gather3A_55 = tpu.vector_load_idx %arg9[%add3A_54, %broadcast_in_dim3A_9] : memref<128x2xi32, #tpu.memory_space<vmem>>[vector<16xi32>, vector<16xi32>], vector<16xi32>,
    %gather3A_56 = tpu.vector_load_idx %arg9[%add3A_54, %broadcast_in_dim3A_11] : memref<128x2xi32, #tpu.memory_space<vmem>>[vector<16xi32>, vector<16xi32>], vector<16xi32>,
    %gather3A_57 = tpu.vector_load_idx %arg7[%gather3A_55] : memref<5000xf32, #tpu.memory_space<vmem>>[vector<16xi32>], vector<16xf32>,
    %gather3A_58 = tpu.vector_load_idx %arg7[%gather3A_56] : memref<5000xf32, #tpu.memory_space<vmem>>[vector<16xi32>], vector<16xf32>,
    %gather3A_59 = tpu.vector_load_idx %arg8[%gather3A_56] : memref<5000xi32, #tpu.memory_space<vmem>>[vector<16xi32>], vector<16xi32>,
    %mul3A_60 = arith.mulf %gather3A_57, %gather3A_58 : vector<16xf32>
    %swap3A_61 = arith.constant 48 : index
    %swap3A_62 = tpu.vector_load %arg10[%swap3A_61] {strides = array<i32>} : memref<128xf32, #tpu.memory_space<vmem>>, vector<16xf32>,
    tpu.vector_store %arg10[%swap3A_61], %mul3A_60 {strides = array<i32>} : memref<128xf32, #tpu.memory_space<vmem>>, vector<16xf32>,
    %swap3A_63 = arith.constant 48 : index
    %swap3A_64 = tpu.vector_load %arg11[%swap3A_63] {strides = array<i32>} : memref<128xi32, #tpu.memory_space<vmem>>, vector<16xi32>,
    tpu.vector_store %arg11[%swap3A_63], %gather3A_59 {strides = array<i32>} : memref<128xi32, #tpu.memory_space<vmem>>, vector<16xi32>,
    %iota3A_65 = tpu.iota {dimensions = array<i32: 0>} : vector<16xi32>
    %add3A_66 = arith.constant 64 : i32
    %add3A_67 = vector.broadcast %add3A_66 : i32 to vector<16xi32>
    %add3A_68 = arith.addi %iota3A_65, %add3A_67 : vector<16xi32>
    %gather3A_69 = tpu.vector_load_idx %arg9[%add3A_68, %broadcast_in_dim3A_9] : memref<128x2xi32, #tpu.memory_space<vmem>>[vector<16xi32>, vector<16xi32>], vector<16xi32>,
    %gather3A_70 = tpu.vector_load_idx %arg9[%add3A_68, %broadcast_in_dim3A_11] : memref<128x2xi32, #tpu.memory_space<vmem>>[vector<16xi32>, vector<16xi32>], vector<16xi32>,
    %gather3A_71 = tpu.vector_load_idx %arg7[%gather3A_69] : memref<5000xf32, #tpu.memory_space<vmem>>[vector<16xi32>], vector<16xf32>,
    %gather3A_72 = tpu.vector_load_idx %arg7[%gather3A_70] : memref<5000xf32, #tpu.memory_space<vmem>>[vector<16xi32>], vector<16xf32>,
    %gather3A_73 = tpu.vector_load_idx %arg8[%gather3A_70] : memref<5000xi32, #tpu.memory_space<vmem>>[vector<16xi32>], vector<16xi32>,
    %mul3A_74 = arith.mulf %gather3A_71, %gather3A_72 : vector<16xf32>
    %swap3A_75 = arith.constant 64 : index
    %swap3A_76 = tpu.vector_load %arg10[%swap3A_75] {strides = array<i32>} : memref<128xf32, #tpu.memory_space<vmem>>, vector<16xf32>,
    tpu.vector_store %arg10[%swap3A_75], %mul3A_74 {strides = array<i32>} : memref<128xf32, #tpu.memory_space<vmem>>, vector<16xf32>,
    %swap3A_77 = arith.constant 64 : index
    %swap3A_78 = tpu.vector_load %arg11[%swap3A_77] {strides = array<i32>} : memref<128xi32, #tpu.memory_space<vmem>>, vector<16xi32>,
    tpu.vector_store %arg11[%swap3A_77], %gather3A_73 {strides = array<i32>} : memref<128xi32, #tpu.memory_space<vmem>>, vector<16xi32>,
    %iota3A_79 = tpu.iota {dimensions = array<i32: 0>} : vector<16xi32>
    %add3A_80 = arith.constant 80 : i32
    %add3A_81 = vector.broadcast %add3A_80 : i32 to vector<16xi32>
    %add3A_82 = arith.addi %iota3A_79, %add3A_81 : vector<16xi32>
    %gather3A_83 = tpu.vector_load_idx %arg9[%add3A_82, %broadcast_in_dim3A_9] : memref<128x2xi32, #tpu.memory_space<vmem>>[vector<16xi32>, vector<16xi32>], vector<16xi32>,
    %gather3A_84 = tpu.vector_load_idx %arg9[%add3A_82, %broadcast_in_dim3A_11] : memref<128x2xi32, #tpu.memory_space<vmem>>[vector<16xi32>, vector<16xi32>], vector<16xi32>,
    %gather3A_85 = tpu.vector_load_idx %arg7[%gather3A_83] : memref<5000xf32, #tpu.memory_space<vmem>>[vector<16xi32>], vector<16xf32>,
    %gather3A_86 = tpu.vector_load_idx %arg7[%gather3A_84] : memref<5000xf32, #tpu.memory_space<vmem>>[vector<16xi32>], vector<16xf32>,
    %gather3A_87 = tpu.vector_load_idx %arg8[%gather3A_84] : memref<5000xi32, #tpu.memory_space<vmem>>[vector<16xi32>], vector<16xi32>,
    %mul3A_88 = arith.mulf %gather3A_85, %gather3A_86 : vector<16xf32>
    %swap3A_89 = arith.constant 80 : index
    %swap3A_90 = tpu.vector_load %arg10[%swap3A_89] {strides = array<i32>} : memref<128xf32, #tpu.memory_space<vmem>>, vector<16xf32>,
    tpu.vector_store %arg10[%swap3A_89], %mul3A_88 {strides = array<i32>} : memref<128xf32, #tpu.memory_space<vmem>>, vector<16xf32>,
    %swap3A_91 = arith.constant 80 : index
    %swap3A_92 = tpu.vector_load %arg11[%swap3A_91] {strides = array<i32>} : memref<128xi32, #tpu.memory_space<vmem>>, vector<16xi32>,
    tpu.vector_store %arg11[%swap3A_91], %gather3A_87 {strides = array<i32>} : memref<128xi32, #tpu.memory_space<vmem>>, vector<16xi32>,
    %iota3A_93 = tpu.iota {dimensions = array<i32: 0>} : vector<16xi32>
    %add3A_94 = arith.constant 96 : i32
    %add3A_95 = vector.broadcast %add3A_94 : i32 to vector<16xi32>
    %add3A_96 = arith.addi %iota3A_93, %add3A_95 : vector<16xi32>
    %gather3A_97 = tpu.vector_load_idx %arg9[%add3A_96, %broadcast_in_dim3A_9] : memref<128x2xi32, #tpu.memory_space<vmem>>[vector<16xi32>, vector<16xi32>], vector<16xi32>,
    %gather3A_98 = tpu.vector_load_idx %arg9[%add3A_96, %broadcast_in_dim3A_11] : memref<128x2xi32, #tpu.memory_space<vmem>>[vector<16xi32>, vector<16xi32>], vector<16xi32>,
    %gather3A_99 = tpu.vector_load_idx %arg7[%gather3A_97] : memref<5000xf32, #tpu.memory_space<vmem>>[vector<16xi32>], vector<16xf32>,
    %gather3A_100 = tpu.vector_load_idx %arg7[%gather3A_98] : memref<5000xf32, #tpu.memory_space<vmem>>[vector<16xi32>], vector<16xf32>,
    %gather3A_101 = tpu.vector_load_idx %arg8[%gather3A_98] : memref<5000xi32, #tpu.memory_space<vmem>>[vector<16xi32>], vector<16xi32>,
    %mul3A_102 = arith.mulf %gather3A_99, %gather3A_100 : vector<16xf32>
    %swap3A_103 = arith.constant 96 : index
    %swap3A_104 = tpu.vector_load %arg10[%swap3A_103] {strides = array<i32>} : memref<128xf32, #tpu.memory_space<vmem>>, vector<16xf32>,
    tpu.vector_store %arg10[%swap3A_103], %mul3A_102 {strides = array<i32>} : memref<128xf32, #tpu.memory_space<vmem>>, vector<16xf32>,
    %swap3A_105 = arith.constant 96 : index
    %swap3A_106 = tpu.vector_load %arg11[%swap3A_105] {strides = array<i32>} : memref<128xi32, #tpu.memory_space<vmem>>, vector<16xi32>,
    tpu.vector_store %arg11[%swap3A_105], %gather3A_101 {strides = array<i32>} : memref<128xi32, #tpu.memory_space<vmem>>, vector<16xi32>,
    %iota3A_107 = tpu.iota {dimensions = array<i32: 0>} : vector<16xi32>
    %add3A_108 = arith.constant 112 : i32
    %add3A_109 = vector.broadcast %add3A_108 : i32 to vector<16xi32>
    %add3A_110 = arith.addi %iota3A_107, %add3A_109 : vector<16xi32>
    %gather3A_111 = tpu.vector_load_idx %arg9[%add3A_110, %broadcast_in_dim3A_9] : memref<128x2xi32, #tpu.memory_space<vmem>>[vector<16xi32>, vector<16xi32>], vector<16xi32>,
    %gather3A_112 = tpu.vector_load_idx %arg9[%add3A_110, %broadcast_in_dim3A_11] : memref<128x2xi32, #tpu.memory_space<vmem>>[vector<16xi32>, vector<16xi32>], vector<16xi32>,
    %gather3A_113 = tpu.vector_load_idx %arg7[%gather3A_111] : memref<5000xf32, #tpu.memory_space<vmem>>[vector<16xi32>], vector<16xf32>,
    %gather3A_114 = tpu.vector_load_idx %arg7[%gather3A_112] : memref<5000xf32, #tpu.memory_space<vmem>>[vector<16xi32>], vector<16xf32>,
    %gather3A_115 = tpu.vector_load_idx %arg8[%gather3A_112] : memref<5000xi32, #tpu.memory_space<vmem>>[vector<16xi32>], vector<16xi32>,
    %mul3A_116 = arith.mulf %gather3A_113, %gather3A_114 : vector<16xf32>
    %swap3A_117 = arith.constant 112 : index
    %swap3A_118 = tpu.vector_load %arg10[%swap3A_117] {strides = array<i32>} : memref<128xf32, #tpu.memory_space<vmem>>, vector<16xf32>,
    tpu.vector_store %arg10[%swap3A_117], %mul3A_116 {strides = array<i32>} : memref<128xf32, #tpu.memory_space<vmem>>, vector<16xf32>,
    %swap3A_119 = arith.constant 112 : index
    %swap3A_120 = tpu.vector_load %arg11[%swap3A_119] {strides = array<i32>} : memref<128xi32, #tpu.memory_space<vmem>>, vector<16xi32>,
    tpu.vector_store %arg11[%swap3A_119], %gather3A_115 {strides = array<i32>} : memref<128xi32, #tpu.memory_space<vmem>>, vector<16xi32>,
    %dma_start3A_121 = tpu.memref_slice %arg5[%mul3A_2] : memref<4096xf32, #tpu.memory_space<hbm>> -> memref<128xf32, #tpu.memory_space<hbm>>
    %dma_start3A_122 = tpu.memref_slice %arg5[%mul3A_2] : memref<4096xf32, #tpu.memory_space<hbm>> -> memref<128xf32, #tpu.memory_space<hbm>>
    tpu.enqueue_dma source(%arg10 : memref<128xf32, #tpu.memory_space<vmem>>) target(%dma_start3A_122 : memref<128xf32, #tpu.memory_space<hbm>>) target_semaphore(%arg15 : memref<!tpu.dma_semaphore, #tpu.memory_space<semaphore_mem>>)
    %dma_start3A_123 = tpu.memref_slice %arg6[%mul3A_2] : memref<4096xi32, #tpu.memory_space<hbm>> -> memref<128xi32, #tpu.memory_space<hbm>>
    %dma_start3A_124 = tpu.memref_slice %arg6[%mul3A_2] : memref<4096xi32, #tpu.memory_space<hbm>> -> memref<128xi32, #tpu.memory_space<hbm>>
    tpu.enqueue_dma source(%arg11 : memref<128xi32, #tpu.memory_space<vmem>>) target(%dma_start3A_124 : memref<128xi32, #tpu.memory_space<hbm>>) target_semaphore(%arg16 : memref<!tpu.dma_semaphore, #tpu.memory_space<semaphore_mem>>)
    %dma_wait3A_125 = tpu.memref_slice %arg5[%mul3A_2] : memref<4096xf32, #tpu.memory_space<hbm>> -> memref<128xf32, #tpu.memory_space<hbm>>
    %dma_wait3A_126 = tpu.memref_slice %arg5[%mul3A_2] : memref<4096xf32, #tpu.memory_space<hbm>> -> memref<128xf32, #tpu.memory_space<hbm>>
    tpu.wait_dma2 semaphore(%arg15 : memref<!tpu.dma_semaphore, #tpu.memory_space<semaphore_mem>>) src(%arg10 : memref<128xf32, #tpu.memory_space<vmem>>) dst(%dma_wait3A_126 : memref<128xf32, #tpu.memory_space<hbm>>)
    %dma_wait3A_127 = tpu.memref_slice %arg6[%mul3A_2] : memref<4096xi32, #tpu.memory_space<hbm>> -> memref<128xi32, #tpu.memory_space<hbm>>
    %dma_wait3A_128 = tpu.memref_slice %arg6[%mul3A_2] : memref<4096xi32, #tpu.memory_space<hbm>> -> memref<128xi32, #tpu.memory_space<hbm>>
    tpu.wait_dma2 semaphore(%arg16 : memref<!tpu.dma_semaphore, #tpu.memory_space<semaphore_mem>>) src(%arg11 : memref<128xi32, #tpu.memory_space<vmem>>) dst(%dma_wait3A_128 : memref<128xi32, #tpu.memory_space<hbm>>)
    return
  }
}

module attributes {stable_mosaic.version = 14 : i64} {
  func.func @_mlp_body(%arg0: i32, %arg1: i32, %arg2: memref<4096xf32, #tpu.memory_space<vmem>>, %arg3: memref<4096xi32, #tpu.memory_space<vmem>>, %arg4: memref<2048x896xf32, #tpu.memory_space<vmem>>, %arg5: memref<896x1024xf32, #tpu.memory_space<vmem>>, %arg6: memref<1x1024xf32, #tpu.memory_space<vmem>>, %arg7: memref<1024x1024xf32, #tpu.memory_space<vmem>>, %arg8: memref<1x1024xf32, #tpu.memory_space<vmem>>, %arg9: memref<600x1024xf32, #tpu.memory_space<vmem>>, %arg10: memref<600x1xf32, #tpu.memory_space<vmem>>, %arg11: memref<600x4096xf32, #tpu.memory_space<hbm>>, %arg12: memref<4096x1024xf32, #tpu.memory_space<vmem>>, %arg13: memref<600x1024xf32, #tpu.memory_space<vmem>>, %arg14: memref<600x1024xf32, #tpu.memory_space<vmem>>, %arg15: memref<!tpu.dma_semaphore, #tpu.memory_space<semaphore_mem>>, %arg16: memref<!tpu.dma_semaphore, #tpu.memory_space<semaphore_mem>>) attributes {dimension_semantics = [#tpu.dimension_semantics<arbitrary>, #tpu.dimension_semantics<arbitrary>], iteration_bounds = array<i64: 14, 2>, scalar_prefetch = 0 : i64, scratch_operands = 5 : i64, tpu.core_type = #tpu.core_type<tc>, window_params = [{pipeline_mode = #tpu.pipeline_mode<synchronous>, transform_indices = @transform_0, window_bounds = array<i64: 4096>}, {pipeline_mode = #tpu.pipeline_mode<synchronous>, transform_indices = @transform_1, window_bounds = array<i64: 4096>}, {transform_indices = @transform_2, window_bounds = array<i64: 2048, 896>}, {transform_indices = @transform_3, window_bounds = array<i64: 896, 1024>}, {pipeline_mode = #tpu.pipeline_mode<synchronous>, transform_indices = @transform_4, window_bounds = array<i64: 1, 1024>}, {pipeline_mode = #tpu.pipeline_mode<synchronous>, transform_indices = @transform_5, window_bounds = array<i64: 1024, 1024>}, {pipeline_mode = #tpu.pipeline_mode<synchronous>, transform_indices = @transform_6, window_bounds = array<i64: 1, 1024>}, {pipeline_mode = #tpu.pipeline_mode<synchronous>, transform_indices = @transform_7, window_bounds = array<i64: 600, 1024>}, {pipeline_mode = #tpu.pipeline_mode<synchronous>, transform_indices = @transform_8, window_bounds = array<i64: 600, 1>}, {}]} {
    %mul3A = arith.constant 2048 : i32
    %mul3A_0 = arith.muli %arg1, %mul3A : i32
    %get3A = arith.constant 0 : index
    %get3A_1 = arith.constant 0 : index
    %get3A_2 = vector.load %arg4[%get3A, %get3A_1] : memref<2048x896xf32, #tpu.memory_space<vmem>>, vector<2048x896xf32>
    %convert_element_type3A = arith.truncf %get3A_2 : vector<2048x896xf32> to vector<2048x896xbf16>
    %get3A_3 = arith.constant 0 : index
    %get3A_4 = arith.constant 0 : index
    %get3A_5 = vector.load %arg5[%get3A_3, %get3A_4] : memref<896x1024xf32, #tpu.memory_space<vmem>>, vector<896x1024xf32>
    %convert_element_type3A_6 = arith.truncf %get3A_5 : vector<896x1024xf32> to vector<896x1024xbf16>
    %dot_general3A = arith.constant dense<0.000000e+00> : vector<2048x1024xf32>
    %dot_general3A_7 = tpu.matmul %convert_element_type3A, %convert_element_type3A_6, %dot_general3A {dimension_numbers = #tpu.dot_dimension_numbers<[1], [0], [0], [1], [0, 0, 1, 1], [], []>, transpose_lhs_hint = false} : vector<2048x896xbf16>, vector<896x1024xbf16>, vector<2048x1024xf32> -> vector<2048x1024xf32>
    %eq3A = arith.constant 0 : i32
    %eq3A_8 = arith.cmpi eq, %arg0, %eq3A : i32
    %convert_element_type3A_9 = arith.extui %eq3A_8 : i1 to i32
    %cond3A = arith.constant 0 : i32
    %cond3A_10 = arith.cmpi ne, %convert_element_type3A_9, %cond3A : i32
    scf.if %cond3A_10 {
      %swap3A = arith.index_cast %mul3A_0 : i32 to index
      %swap3A_20 = arith.constant 0 : index
      %swap3A_21 = vector.load %arg12[%swap3A, %swap3A_20] : memref<4096x1024xf32, #tpu.memory_space<vmem>>, vector<2048x1024xf32>
      tpu.vector_store %arg12[%swap3A, %swap3A_20], %dot_general3A_7 {strides = array<i32>} : memref<4096x1024xf32, #tpu.memory_space<vmem>>, vector<2048x1024xf32>,
    } else {
    }
    %gt3A = arith.constant 0 : i32
    %gt3A_11 = arith.cmpi sgt, %arg0, %gt3A : i32
    %convert_element_type3A_12 = arith.extui %gt3A_11 : i1 to i32
    %cond3A_13 = arith.constant 0 : i32
    %cond3A_14 = arith.cmpi ne, %convert_element_type3A_12, %cond3A_13 : i32
    scf.if %cond3A_14 {
      %get3A_20 = arith.index_cast %mul3A_0 : i32 to index
      %get3A_21 = arith.constant 0 : index
      %get3A_22 = vector.load %arg12[%get3A_20, %get3A_21] : memref<4096x1024xf32, #tpu.memory_space<vmem>>, vector<2048x1024xf32>
      %add3A = arith.addf %get3A_22, %dot_general3A_7 : vector<2048x1024xf32>
      %swap3A = arith.index_cast %mul3A_0 : i32 to index
      %swap3A_23 = arith.constant 0 : index
      %swap3A_24 = vector.load %arg12[%swap3A, %swap3A_23] : memref<4096x1024xf32, #tpu.memory_space<vmem>>, vector<2048x1024xf32>
      tpu.vector_store %arg12[%swap3A, %swap3A_23], %add3A {strides = array<i32>} : memref<4096x1024xf32, #tpu.memory_space<vmem>>, vector<2048x1024xf32>,
    } else {
    }
    %eq3A_15 = arith.constant 13 : i32
    %eq3A_16 = arith.cmpi eq, %arg0, %eq3A_15 : i32
    %convert_element_type3A_17 = arith.extui %eq3A_16 : i1 to i32
    %cond3A_18 = arith.constant 0 : i32
    %cond3A_19 = arith.cmpi ne, %convert_element_type3A_17, %cond3A_18 : i32
    scf.if %cond3A_19 {
      %get3A_20 = arith.constant 0 : index
      %get3A_21 = arith.constant 0 : index
      %get3A_22 = vector.load %arg7[%get3A_20, %get3A_21] : memref<1024x1024xf32, #tpu.memory_space<vmem>>, vector<1024x1024xf32>
      %convert_element_type3A_23 = arith.truncf %get3A_22 : vector<1024x1024xf32> to vector<1024x1024xbf16>
      %get3A_24 = arith.constant 0 : index
      %get3A_25 = arith.constant 0 : index
      %get3A_26 = vector.load %arg9[%get3A_24, %get3A_25] : memref<600x1024xf32, #tpu.memory_space<vmem>>, vector<600x1024xf32>
      %convert_element_type3A_27 = arith.truncf %get3A_26 : vector<600x1024xf32> to vector<600x1024xbf16>
      %iota3A = tpu.iota {dimensions = array<i32: 0>} : vector<600x1024xi32>
      %mul3A_28 = arith.constant 2048 : i32
      %mul3A_29 = arith.muli %arg1, %mul3A_28 : i32
      %add3A = arith.constant 0 : i32
      %add3A_30 = arith.addi %mul3A_29, %add3A : i32
      %get3A_31 = arith.index_cast %add3A_30 : i32 to index
      %get3A_32 = arith.constant 0 : index
      %get3A_33 = vector.load %arg12[%get3A_31, %get3A_32] : memref<4096x1024xf32, #tpu.memory_space<vmem>>, vector<1024x1024xf32>
      %get3A_34 = arith.constant 0 : index
      %get3A_35 = arith.constant 0 : index
      %get3A_36 = vector.load %arg6[%get3A_34, %get3A_35] : memref<1x1024xf32, #tpu.memory_space<vmem>>, vector<1x1024xf32>
      %add3A_37 = vector.broadcast %get3A_36 : vector<1x1024xf32> to vector<1024x1024xf32>
      %add3A_38 = arith.addf %get3A_33, %add3A_37 : vector<1024x1024xf32>
      %max3A = arith.constant 0.000000e+00 : f32
      %max3A_39 = vector.broadcast %max3A : f32 to vector<1024x1024xf32>
      %max3A_40 = arith.maximumf %add3A_38, %max3A_39 : vector<1024x1024xf32>
      %convert_element_type3A_41 = arith.truncf %max3A_40 : vector<1024x1024xf32> to vector<1024x1024xbf16>
      %dot_general3A_42 = arith.constant dense<0.000000e+00> : vector<1024x1024xf32>
      %dot_general3A_43 = tpu.matmul %convert_element_type3A_41, %convert_element_type3A_23, %dot_general3A_42 {dimension_numbers = #tpu.dot_dimension_numbers<[1], [0], [0], [1], [0, 0, 1, 1], [], []>, transpose_lhs_hint = false} : vector<1024x1024xbf16>, vector<1024x1024xbf16>, vector<1024x1024xf32> -> vector<1024x1024xf32>
      %get3A_44 = arith.constant 0 : index
      %get3A_45 = arith.constant 0 : index
      %get3A_46 = vector.load %arg8[%get3A_44, %get3A_45] : memref<1x1024xf32, #tpu.memory_space<vmem>>, vector<1x1024xf32>
      %add3A_47 = vector.broadcast %get3A_46 : vector<1x1024xf32> to vector<1024x1024xf32>
      %add3A_48 = arith.addf %dot_general3A_43, %add3A_47 : vector<1024x1024xf32>
      %max3A_49 = arith.constant 0.000000e+00 : f32
      %max3A_50 = vector.broadcast %max3A_49 : f32 to vector<1024x1024xf32>
      %max3A_51 = arith.maximumf %add3A_48, %max3A_50 : vector<1024x1024xf32>
      %convert_element_type3A_52 = arith.truncf %max3A_51 : vector<1024x1024xf32> to vector<1024x1024xbf16>
      %dot_general3A_53 = arith.constant dense<0.000000e+00> : vector<600x1024xf32>
      %dot_general3A_54 = tpu.matmul %convert_element_type3A_27, %convert_element_type3A_52, %dot_general3A_53 {dimension_numbers = #tpu.dot_dimension_numbers<[1], [1], [0], [0], [0, 0, 1, 0], [], []>, transpose_lhs_hint = false} : vector<600x1024xbf16>, vector<1024x1024xbf16>, vector<600x1024xf32> -> vector<600x1024xf32>
      %get3A_55 = arith.constant 0 : index
      %get3A_56 = arith.constant 0 : index
      %get3A_57 = vector.load %arg10[%get3A_55, %get3A_56] : memref<600x1xf32, #tpu.memory_space<vmem>>, vector<600x1xf32>
      %add3A_58 = vector.broadcast %get3A_57 : vector<600x1xf32> to vector<600x1024xf32>
      %add3A_59 = arith.addf %dot_general3A_54, %add3A_58 : vector<600x1024xf32>
      %logistic3A = arith.negf %add3A_59 : vector<600x1024xf32>
      %logistic3A_60 = math.exp %logistic3A : vector<600x1024xf32>
      %logistic3A_61 = arith.constant 1.000000e+00 : f32
      %logistic3A_62 = vector.broadcast %logistic3A_61 : f32 to vector<600x1024xf32>
      %logistic3A_63 = arith.addf %logistic3A_62, %logistic3A_60 : vector<600x1024xf32>
      %logistic3A_64 = arith.divf %logistic3A_62, %logistic3A_63 : vector<600x1024xf32>
      %get3A_65 = arith.index_cast %add3A_30 : i32 to index
      %get3A_66 = vector.load %arg3[%get3A_65] : memref<4096xi32, #tpu.memory_space<vmem>>, vector<1024xi32>
      %get3A_67 = arith.index_cast %add3A_30 : i32 to index
      %get3A_68 = vector.load %arg2[%get3A_67] : memref<4096xf32, #tpu.memory_space<vmem>>, vector<1024xf32>
      %broadcast_in_dim3A = vector.shape_cast %get3A_66 : vector<1024xi32> to vector<1x1024xi32>
      %eq3A_69 = vector.broadcast %broadcast_in_dim3A : vector<1x1024xi32> to vector<600x1024xi32>
      %eq3A_70 = arith.cmpi eq, %iota3A, %eq3A_69 : vector<600x1024xi32>
      %broadcast_in_dim3A_71 = vector.shape_cast %get3A_68 : vector<1024xf32> to vector<1x1024xf32>
      %mul3A_72 = vector.broadcast %broadcast_in_dim3A_71 : vector<1x1024xf32> to vector<600x1024xf32>
      %mul3A_73 = arith.mulf %logistic3A_64, %mul3A_72 : vector<600x1024xf32>
      %jit3A = arith.constant 0.000000e+00 : f32
      %broadcast_in_dim3A_74 = vector.broadcast %jit3A : f32 to vector<600x1024xf32>
      %select_n3A = arith.select %eq3A_70, %mul3A_73, %broadcast_in_dim3A_74 : vector<600x1024xi1>, vector<600x1024xf32>
      %swap3A = arith.constant 0 : index
      %swap3A_75 = arith.constant 0 : index
      %swap3A_76 = vector.load %arg13[%swap3A, %swap3A_75] : memref<600x1024xf32, #tpu.memory_space<vmem>>, vector<600x1024xf32>
      tpu.vector_store %arg13[%swap3A, %swap3A_75], %select_n3A {strides = array<i32>} : memref<600x1024xf32, #tpu.memory_space<vmem>>, vector<600x1024xf32>,
      %dma_start3A = arith.constant 0 : i32
      %dma_start3A_77 = tpu.memref_slice %arg11[%dma_start3A, %add3A_30] : memref<600x4096xf32, #tpu.memory_space<hbm>> -> memref<600x1024xf32, #tpu.memory_space<hbm>>
      tpu.enqueue_dma source(%arg13 : memref<600x1024xf32, #tpu.memory_space<vmem>>) target(%dma_start3A_77 : memref<600x1024xf32, #tpu.memory_space<hbm>>) target_semaphore(%arg15 : memref<!tpu.dma_semaphore, #tpu.memory_space<semaphore_mem>>)
      %mul3A_78 = arith.constant 2048 : i32
      %mul3A_79 = arith.muli %arg1, %mul3A_78 : i32
      %add3A_80 = arith.constant 1024 : i32
      %add3A_81 = arith.addi %mul3A_79, %add3A_80 : i32
      %get3A_82 = arith.index_cast %add3A_81 : i32 to index
      %get3A_83 = arith.constant 0 : index
      %get3A_84 = vector.load %arg12[%get3A_82, %get3A_83] : memref<4096x1024xf32, #tpu.memory_space<vmem>>, vector<1024x1024xf32>
      %get3A_85 = arith.constant 0 : index
      %get3A_86 = arith.constant 0 : index
      %get3A_87 = vector.load %arg6[%get3A_85, %get3A_86] : memref<1x1024xf32, #tpu.memory_space<vmem>>, vector<1x1024xf32>
      %add3A_88 = vector.broadcast %get3A_87 : vector<1x1024xf32> to vector<1024x1024xf32>
      %add3A_89 = arith.addf %get3A_84, %add3A_88 : vector<1024x1024xf32>
      %max3A_90 = arith.constant 0.000000e+00 : f32
      %max3A_91 = vector.broadcast %max3A_90 : f32 to vector<1024x1024xf32>
      %max3A_92 = arith.maximumf %add3A_89, %max3A_91 : vector<1024x1024xf32>
      %convert_element_type3A_93 = arith.truncf %max3A_92 : vector<1024x1024xf32> to vector<1024x1024xbf16>
      %dot_general3A_94 = arith.constant dense<0.000000e+00> : vector<1024x1024xf32>
      %dot_general3A_95 = tpu.matmul %convert_element_type3A_93, %convert_element_type3A_23, %dot_general3A_94 {dimension_numbers = #tpu.dot_dimension_numbers<[1], [0], [0], [1], [0, 0, 1, 1], [], []>, transpose_lhs_hint = false} : vector<1024x1024xbf16>, vector<1024x1024xbf16>, vector<1024x1024xf32> -> vector<1024x1024xf32>
      %get3A_96 = arith.constant 0 : index
      %get3A_97 = arith.constant 0 : index
      %get3A_98 = vector.load %arg8[%get3A_96, %get3A_97] : memref<1x1024xf32, #tpu.memory_space<vmem>>, vector<1x1024xf32>
      %add3A_99 = vector.broadcast %get3A_98 : vector<1x1024xf32> to vector<1024x1024xf32>
      %add3A_100 = arith.addf %dot_general3A_95, %add3A_99 : vector<1024x1024xf32>
      %max3A_101 = arith.constant 0.000000e+00 : f32
      %max3A_102 = vector.broadcast %max3A_101 : f32 to vector<1024x1024xf32>
      %max3A_103 = arith.maximumf %add3A_100, %max3A_102 : vector<1024x1024xf32>
      %convert_element_type3A_104 = arith.truncf %max3A_103 : vector<1024x1024xf32> to vector<1024x1024xbf16>
      %dot_general3A_105 = arith.constant dense<0.000000e+00> : vector<600x1024xf32>
      %dot_general3A_106 = tpu.matmul %convert_element_type3A_27, %convert_element_type3A_104, %dot_general3A_105 {dimension_numbers = #tpu.dot_dimension_numbers<[1], [1], [0], [0], [0, 0, 1, 0], [], []>, transpose_lhs_hint = false} : vector<600x1024xbf16>, vector<1024x1024xbf16>, vector<600x1024xf32> -> vector<600x1024xf32>
      %get3A_107 = arith.constant 0 : index
      %get3A_108 = arith.constant 0 : index
      %get3A_109 = vector.load %arg10[%get3A_107, %get3A_108] : memref<600x1xf32, #tpu.memory_space<vmem>>, vector<600x1xf32>
      %add3A_110 = vector.broadcast %get3A_109 : vector<600x1xf32> to vector<600x1024xf32>
      %add3A_111 = arith.addf %dot_general3A_106, %add3A_110 : vector<600x1024xf32>
      %logistic3A_112 = arith.negf %add3A_111 : vector<600x1024xf32>
      %logistic3A_113 = math.exp %logistic3A_112 : vector<600x1024xf32>
      %logistic3A_114 = arith.constant 1.000000e+00 : f32
      %logistic3A_115 = vector.broadcast %logistic3A_114 : f32 to vector<600x1024xf32>
      %logistic3A_116 = arith.addf %logistic3A_115, %logistic3A_113 : vector<600x1024xf32>
      %logistic3A_117 = arith.divf %logistic3A_115, %logistic3A_116 : vector<600x1024xf32>
      %get3A_118 = arith.index_cast %add3A_81 : i32 to index
      %get3A_119 = vector.load %arg3[%get3A_118] : memref<4096xi32, #tpu.memory_space<vmem>>, vector<1024xi32>
      %get3A_120 = arith.index_cast %add3A_81 : i32 to index
      %get3A_121 = vector.load %arg2[%get3A_120] : memref<4096xf32, #tpu.memory_space<vmem>>, vector<1024xf32>
      %broadcast_in_dim3A_122 = vector.shape_cast %get3A_119 : vector<1024xi32> to vector<1x1024xi32>
      %eq3A_123 = vector.broadcast %broadcast_in_dim3A_122 : vector<1x1024xi32> to vector<600x1024xi32>
      %eq3A_124 = arith.cmpi eq, %iota3A, %eq3A_123 : vector<600x1024xi32>
      %broadcast_in_dim3A_125 = vector.shape_cast %get3A_121 : vector<1024xf32> to vector<1x1024xf32>
      %mul3A_126 = vector.broadcast %broadcast_in_dim3A_125 : vector<1x1024xf32> to vector<600x1024xf32>
      %mul3A_127 = arith.mulf %logistic3A_117, %mul3A_126 : vector<600x1024xf32>
      %jit3A_128 = arith.constant 0.000000e+00 : f32
      %broadcast_in_dim3A_129 = vector.broadcast %jit3A_128 : f32 to vector<600x1024xf32>
      %select_n3A_130 = arith.select %eq3A_124, %mul3A_127, %broadcast_in_dim3A_129 : vector<600x1024xi1>, vector<600x1024xf32>
      %swap3A_131 = arith.constant 0 : index
      %swap3A_132 = arith.constant 0 : index
      %swap3A_133 = vector.load %arg14[%swap3A_131, %swap3A_132] : memref<600x1024xf32, #tpu.memory_space<vmem>>, vector<600x1024xf32>
      tpu.vector_store %arg14[%swap3A_131, %swap3A_132], %select_n3A_130 {strides = array<i32>} : memref<600x1024xf32, #tpu.memory_space<vmem>>, vector<600x1024xf32>,
      %dma_start3A_134 = arith.constant 0 : i32
      %dma_start3A_135 = tpu.memref_slice %arg11[%dma_start3A_134, %add3A_81] : memref<600x4096xf32, #tpu.memory_space<hbm>> -> memref<600x1024xf32, #tpu.memory_space<hbm>>
      tpu.enqueue_dma source(%arg14 : memref<600x1024xf32, #tpu.memory_space<vmem>>) target(%dma_start3A_135 : memref<600x1024xf32, #tpu.memory_space<hbm>>) target_semaphore(%arg16 : memref<!tpu.dma_semaphore, #tpu.memory_space<semaphore_mem>>)
      %dma_wait3A = arith.constant 0 : i32
      %dma_wait3A_136 = tpu.memref_slice %arg11[%dma_wait3A, %add3A_30] : memref<600x4096xf32, #tpu.memory_space<hbm>> -> memref<600x1024xf32, #tpu.memory_space<hbm>>
      tpu.wait_dma2 semaphore(%arg15 : memref<!tpu.dma_semaphore, #tpu.memory_space<semaphore_mem>>) src(%arg13 : memref<600x1024xf32, #tpu.memory_space<vmem>>) dst(%dma_wait3A_136 : memref<600x1024xf32, #tpu.memory_space<hbm>>)
      %dma_wait3A_137 = arith.constant 0 : i32
      %dma_wait3A_138 = tpu.memref_slice %arg11[%dma_wait3A_137, %add3A_81] : memref<600x4096xf32, #tpu.memory_space<hbm>> -> memref<600x1024xf32, #tpu.memory_space<hbm>>
      tpu.wait_dma2 semaphore(%arg16 : memref<!tpu.dma_semaphore, #tpu.memory_space<semaphore_mem>>) src(%arg14 : memref<600x1024xf32, #tpu.memory_space<vmem>>) dst(%dma_wait3A_138 : memref<600x1024xf32, #tpu.memory_space<hbm>>)
    } else {
    }
    return
  }
  func.func @transform_0(%arg0: i32, %arg1: i32) -> i32 {
    %c0_i32 = arith.constant 0 : i32
    %c0_i32_0 = arith.constant 0 : i32
    return %c0_i32 : i32
  }
  func.func @transform_1(%arg0: i32, %arg1: i32) -> i32 {
    %c0_i32 = arith.constant 0 : i32
    %c0_i32_0 = arith.constant 0 : i32
    return %c0_i32 : i32
  }
  func.func @transform_2(%arg0: i32, %arg1: i32) -> (i32, i32) {
    %c0_i32 = arith.constant 0 : i32
    return %arg1, %arg0 : i32, i32
  }
  func.func @transform_3(%arg0: i32, %arg1: i32) -> (i32, i32) {
    %c0_i32 = arith.constant 0 : i32
    %c0_i32_0 = arith.constant 0 : i32
    return %arg0, %c0_i32 : i32, i32
  }
  func.func @transform_4(%arg0: i32, %arg1: i32) -> (i32, i32) {
    %c0_i32 = arith.constant 0 : i32
    %c0_i32_0 = arith.constant 0 : i32
    %c0_i32_1 = arith.constant 0 : i32
    return %c0_i32, %c0_i32_0 : i32, i32
  }
  func.func @transform_5(%arg0: i32, %arg1: i32) -> (i32, i32) {
    %c0_i32 = arith.constant 0 : i32
    %c0_i32_0 = arith.constant 0 : i32
    %c0_i32_1 = arith.constant 0 : i32
    return %c0_i32, %c0_i32_0 : i32, i32
  }
  func.func @transform_6(%arg0: i32, %arg1: i32) -> (i32, i32) {
    %c0_i32 = arith.constant 0 : i32
    %c0_i32_0 = arith.constant 0 : i32
    %c0_i32_1 = arith.constant 0 : i32
    return %c0_i32, %c0_i32_0 : i32, i32
  }
  func.func @transform_7(%arg0: i32, %arg1: i32) -> (i32, i32) {
    %c0_i32 = arith.constant 0 : i32
    %c0_i32_0 = arith.constant 0 : i32
    %c0_i32_1 = arith.constant 0 : i32
    return %c0_i32, %c0_i32_0 : i32, i32
  }
  func.func @transform_8(%arg0: i32, %arg1: i32) -> (i32, i32) {
    %c0_i32 = arith.constant 0 : i32
    %c0_i32_0 = arith.constant 0 : i32
    %c0_i32_1 = arith.constant 0 : i32
    return %c0_i32, %c0_i32_0 : i32, i32
  }
}

</mosaic_0001>

<sc_bundles>
// kernel: kernel.4.cloned.1.call-start
scs
__scs_entry_jumppad:
0x0: {  	(pc) =	sbr.rel $0x88, $3  }
0x1: {  	(tag) =	ssettag $0x0;
	lr =	simm.s32 $0x1  }
0x2: {  	[smem:$0x3F97] =	sst lr;
	_ =	strace $0xD0000000  }
0x3: {  	_ = 	snop  }
0x4: {  	_ = 	snop  }
0x5: {  	_ = 	snop  }
0x6: {  	_ = 	snop  }
0x7: {  	_ = 	snop  }
__scs_overlays_trampoline_lowered:
0x8: {  	[smem:$0x3FA6] =	sst s0  }
0x9: {  	[smem:$0x3FA7] =	sst s1  }
0xa: {  	[smem:$0x3FA8] =	sst s2  }
0xb: {  	[smem:$0x3FA9] =	sst s3  }
0xc: {  	[smem:$0x3FAA] =	sst s4  }
0xd: {  	[smem:$0x3FAB] =	sst s5  }
0xe: {  	[smem:$0x3FAC] =	sst s6  }
0xf: {  	[smem:$0x3FAD] =	sst s7  }
0x10: {  	[smem:$0x3FAE] =	sst s8  }
0x11: {  	[smem:$0x3FAF] =	sst s9;
	s0 =	simm.s32 @!p0 $0x0  }
0x12: {  	s1 =	sld [smem:$0x3F95];
	s0 =	simm.s32 @p0 $0x1  }
0x13: {  	[smem:$0x3FB0] =	sst s0;
	s0 =	simm.s32 @!p1 $0x0  }
0x14: {  	s2 =	sld [smem:$0x3F94];
	s0 =	simm.s32 @p1 $0x1  }
0x15: {  	[smem:$0x3FB1] =	sst s0;
	s0 =	simm.s32 @!p2 $0x0  }
0x16: {  	s3 =	sld [smem:$0x3FDB];
	s0 =	simm.s32 @p2 $0x1  }
0x17: {  	s4 =	simm.s32 $0x1BF5;
	[smem:$0x3FB3] =	sst s0  }
0x18: {  	s0 =	sld [smem:$0x3F96];
	_ =	swait.ge [sflag:s4], $0x0  }
0x19: {  	s7 =	sld [smem:$0x3F97]  }
0x1a: {  	s8 =	sadd.s32 $0xFFFFE003, lr  }
0x1b: {  	s9 =	sadd.s32 $0xFFFFFEF7, lr;
	s5 =	simm.s32 $0xFFFFFFFF;
	p2 =	slt.u32 s8, $0xFFFFF086  }
0x1c: {  	p1 =	slt.u32 s9, $0xF7A;
	s5 =	simm.s32 @!p2 $0x0  }
0x1d: {  	s5 =	simm.s32 @p1 $0x1;
	p0 =	seq.s32 s7, s2  }
0x1e: {  	s7 =	smul.u32 @!p0 $0xF7A, s2;
	p2 =	seq.s32 @!p0 s5, $0x0  }
0x1f: {  	s9 =	smul.u32 $0xF7A, s1;
	s8 =	simm.s32 @!p0 $0x1BF5;
	p2 =	por !p2, p0  }
0x20: {  	[sflag:s8] =	ssyncset.s32 @!p0 $0xFFFFF086;
	s6 =	sadd.s32 @!p0 s3, s7;
	s7 =	simm.s32 @!p0 $0x108  }
0x21: {  	s3 =	sadd.s32 s3, s9;
	s6 =	sadd.s32 @!p0 $0x88, s6;
	s7 =	simm.s32 @p2 $0x1082  }
0x22: {  	[simem:s7], [sflag:s8] =	dma.local @!p0 [hbm:s6], $0xF7A  }
0x23: {  	s9 =	sor.u32 $0xD0000000, s2;
	s6 =	simm.s32 $0x108;
	_ =	swait.ge @!p0 [sflag:s8], $0x0  }
0x24: {  	s3 =	sadd.s32 $0x88, s3;
	s6 =	simm.s32 @!p1 $0x1082;
	[sflag:s4] =	ssyncset.s32 $0xFFFFF086  }
0x25: {  	[simem:s6], [sflag:s4] =	dma.local [hbm:s3], $0xF7A  }
0x26: {  	[smem:$0x3F97] =	sst s1;
	(tag) =	ssettag s2;
	_ =	strace s9  }
0x27: {  	s1 =	sld [smem:$0x3FA7]  }
0x28: {  	s2 =	sld [smem:$0x3FA8]  }
0x29: {  	s4 =	sld [smem:$0x3FAA]  }
0x2a: {  	p0 =	seq.s32 s5, $0x0;
	s5 =	sld [smem:$0x3FAB]  }
0x2b: {  	s6 =	sld [smem:$0x3FAC]  }
0x2c: {  	s7 =	sld [smem:$0x3FAD]  }
0x2d: {  	s3 =	simm.s32 $0x108;
	s8 =	sld [smem:$0x3FAE]  }
0x2e: {  	s3 =	simm.s32 @!p0 $0x1082;
	s9 =	sld [smem:$0x3FAF]  }
0x2f: {  	lr =	sadd.s32 s0, s3;
	s0 =	sld [smem:$0x3FA6]  }
0x30: {  	s3 =	sld [smem:$0x3FA9]  }
0x31: {  	[smem:$0x3FB2] =	sst s10  }
0x32: {  	s10 =	sld [smem:$0x3FB0];
	_ =	sdelay $0x3  }
0x33: {  	p0 =	seq.s32 s10, $0x1;
	s10 =	sld [smem:$0x3FB2];
	_ =	sdelay $0x3  }
0x34: {  	[smem:$0x3FB2] =	sst s10  }
0x35: {  	s10 =	sld [smem:$0x3FB1];
	_ =	sdelay $0x3  }
0x36: {  	p1 =	seq.s32 s10, $0x1;
	s10 =	sld [smem:$0x3FB2];
	_ =	sdelay $0x3  }
0x37: {  	[smem:$0x3FB2] =	sst s10  }
0x38: {  	s10 =	sld [smem:$0x3FB3]  }
0x39: {  	_ = 	snop;
	(pc) =	sbr.ind lr, $3  }
0x3a: {  	_ = 	snop  }
0x3b: {  	_ = 	snop  }
0x3c: {  	p2 =	seq.s32 s10, $0x1;
	s10 =	sld [smem:$0x3FB2]  }
0x3d: {  	_ =	shalt  }
0x3e: {  	_ =	shalt  }
0x3f: {  	_ =	shalt  }
0x40: {  	_ =	shalt  }
0x41: {  	_ =	shalt  }
0x42: {  	_ =	shalt  }
0x43: {  	_ =	shalt  }
0x44: {  	_ =	shalt  }
0x45: {  	_ =	shalt  }
0x46: {  	_ =	shalt  }
0x47: {  	_ =	shalt  }
0x48: {  	_ =	shalt  }
0x49: {  	_ =	shalt  }
0x4a: {  	_ =	shalt  }
0x4b: {  	_ =	shalt  }
0x4c: {  	_ =	shalt  }
0x4d: {  	_ =	shalt  }
0x4e: {  	_ =	shalt  }
0x4f: {  	_ =	shalt  }
0x50: {  	_ =	shalt  }
0x51: {  	_ =	shalt  }
0x52: {  	_ =	shalt  }
0x53: {  	_ =	shalt  }
0x54: {  	_ =	shalt  }
0x55: {  	_ =	shalt  }
0x56: {  	_ =	shalt  }
0x57: {  	_ =	shalt  }
0x58: {  	_ =	shalt  }
0x59: {  	_ =	shalt  }
0x5a: {  	_ =	shalt  }
0x5b: {  	_ =	shalt  }
0x5c: {  	_ =	shalt  }
0x5d: {  	_ =	shalt  }
0x5e: {  	_ =	shalt  }
0x5f: {  	_ =	shalt  }
0x60: {  	_ =	shalt  }
0x61: {  	_ =	shalt  }
0x62: {  	_ =	shalt  }
0x63: {  	_ =	shalt  }
0x64: {  	_ =	shalt  }
0x65: {  	_ =	shalt  }
0x66: {  	_ =	shalt  }
0x67: {  	_ =	shalt  }
0x68: {  	_ =	shalt  }
0x69: {  	_ =	shalt  }
0x6a: {  	_ =	shalt  }
0x6b: {  	_ =	shalt  }
0x6c: {  	_ =	shalt  }
0x6d: {  	_ =	shalt  }
0x6e: {  	_ =	shalt  }
0x6f: {  	_ =	shalt  }
0x70: {  	_ =	shalt  }
0x71: {  	_ =	shalt  }
0x72: {  	_ =	shalt  }
0x73: {  	_ =	shalt  }
0x74: {  	_ =	shalt  }
0x75: {  	_ =	shalt  }
0x76: {  	_ =	shalt  }
0x77: {  	_ =	shalt  }
0x78: {  	_ =	shalt  }
0x79: {  	_ =	shalt  }
0x7a: {  	_ =	shalt  }
0x7b: {  	_ =	shalt  }
0x7c: {  	_ =	shalt  }
0x7d: {  	_ =	shalt  }
0x7e: {  	_ =	shalt  }
0x7f: {  	_ =	shalt  }
0x80: {  	_ =	shalt  }
0x81: {  	_ =	shalt  }
0x82: {  	_ =	shalt  }
0x83: {  	_ =	shalt  }
0x84: {  	_ =	shalt  }
0x85: {  	_ =	shalt  }
0x86: {  	_ =	shalt  }
0x87: {  	_ =	shalt  }
.Lfunc_end0:
.L_simem_size_0:
called_computation_lowered:
.L_overlay_start_0:
0x88: {  	s2 =	sld [smem:$0x3FD9]  }
0x89: {  	s3 =	sld [smem:$0x3FFE];
	_ =	sdelay $0x1  }
0x8a: {  	s1 =	srdreg.scid  }
0x8b: {  	s0 =	sand.u32 $0x1, s1  }
0x8c: {  	s17 =	sshll.u32 s0, $0xA;
	s2 =	sadd.s32 s3, s2  }
0x8d: {  	s2 =	sadd.s32 s2, s17  }
0x8e: {  	[smem:$0x3FBE] =	sst s2  }
0x8f: {  	_ = 	snop  }
0x90: {  	s2 =	sld [smem:$0x3FC8]  }
0x91: {  	s18 =	sld [smem:$0x3FC7]  }
0x92: {  	s4 =	sld [smem:$0x3FD0];
	(tm) =	ssettm $0x1  }
0x93: {  	s5 =	sld [smem:$0x3FFB];
	_ =	sdelay $0x3  }
0x94: {  	_ =	strace s5  }
0x95: {  	s5 =	sld [smem:$0x3FFC];
	_ =	sdelay $0x3  }
0x96: {  	_ =	strace s5  }
0x97: {  	s5 =	sld [smem:$0x3FFD];
	_ =	sdelay $0x3  }
0x98: {  	_ =	strace s5  }
0x99: {  	_ =	strace $0x8FFFFFFF  }
0x9a: {  	s19 =	sld [smem:$0x3FDB];
	_ =	sdelay $0x1  }
0x9b: {  	s6 =	simm.s32 $_scs_section_size  }
0x9c: {  	s7 =	simm.s32 $_size__tile_overlayer_lowered;
	s8 =	simm.s32 $_tile_overlayer_lowered  }
0x9d: {  	s22 =	simm.s32 $0x1BFF;
	s21 =	sshll.u32 s8, $0x1;
	s5 =	sadd.s32 s6, s19  }
0x9e: {  	s9 =	simm.s32 $0x0;
	s20 =	sshll.u32 s7, $0x1;
	s7 =	sadd.s32 s21, s5  }
0x9f: {  	[timem:s9], [sflag:s22] =	dma.local [hbm:s7], s20  }
0xa0: {  	_ =	swait.ge [sflag:s22], s20  }
0xa1: {  	s6 =	ssub.s32 $0x0, s20;
	[sflag:s22] =	ssyncset.done $0x0  }
0xa2: {  	[sflag:s22] =	ssyncadd.s32 s6;
	_ =	sdelay $0x1  }
0xa3: {  	s23 =	simm.s32 $0x1B8B  }
0xa4: {  	_ =	swait.ge [sflag:s23], $0x1  }
0xa5: {  	[sflag:s23] =	ssyncset.done $0x0  }
0xa6: {  	s25 =	simm.s32 $0x1B8E;
	s24 =	sld [smem:$0x3FFE];
	[sflag:s23] =	ssyncadd.s32 $0xFFFFFFFF  }
0xa7: {  	s26 =	simm.s32 $execute0_lowered;
	[smem:$0x3FD2] =	sst s25  }
0xa8: {  	s7 =	sshll.u32 s26, $0x1;
	_ =	strace $0x80000046;
	[dreg:$0x1] =	wrdreg $0xFFFFFFFF  }
0xa9: {  	s28 =	simm.s32 $_size_execute0_lowered;
	s5 =	sadd.s32 s5, s7;
	[dreg:$0x0] =	wrdreg $0x0  }
0xaa: {  	s7 =	sshll.u32 s28, $0x1;
	[dreg:$0x2] =	wrdreg s5  }
0xab: {  	[dreg:$0x3] =	wrdreg s7  }
0xac: {  	[dreg:$0x4] =	wrdreg $0xC0  }
0xad: {  	_ =	task [dreg:s9], $0x5FFFF  }
0xae: {  	[dreg:$0x1] =	wrdreg $0xFFFFFFFF  }
0xaf: {  	[dreg:$0x0] =	wrdreg $0x60  }
0xb0: {  	[dreg:$0x2] =	wrdreg s2  }
0xb1: {  	[dreg:$0x3] =	wrdreg s18  }
0xb2: {  	[dreg:$0x4] =	wrdreg s4  }
0xb3: {  	[dreg:$0x5] =	wrdreg s24  }
0xb4: {  	[dreg:$0x6] =	wrdreg $0x9  }
0xb5: {  	_ =	task.clear_ibuf [dreg:s9], $0x7FFFF;
	_ =	strace $0x90000046  }
0xb6: {  	s29 =	simm.s32 $0x9;
	_ =	strace $0x80000048  }
0xb7: {  	_ =	swait.ge [sflag:s29], $0x1  }
0xb8: {  	[sflag:s29] =	ssyncadd.s32 $0xFFFFFFFF  }
0xb9: {  	_ =	strace $0x90000048  }
0xba: {  	_ =	sfence  }
0xbb: {  	s30 =	sld [smem:$0x0];
	_ =	sdelay $0x2  }
0xbc: {  	s31 =	sshll.u32 s1, $0xD;
	s1 =	sshrl.u32 s1, $0x2  }
0xbd: {  	s3 =	sand.u32 $0x4000, s31;
	s1 =	sadd.s32 s1, s30  }
0xbe: {  	s0 =	sor.u32 s3, s0;
	s1 =	sshll.u32 s1, $0x11  }
0xbf: {  	s0 =	sor.u32 s1, s0  }
0xc0: {  	s0 =	sadd.s32 $0x8F2B, s0  }
0xc1: {  	[sflag:s0] =	ssyncadd.remote.s32 $0x1  }
0xc2: {  	_ =	sfence.sel $0xFFFF  }
0xc3: {  	[dreg:$0x0] =	wrdreg $0xFFFFFFFF;
	(pc) =	sbr.abs _section_cstart, $3  }
0xc4: {  	[dreg:$0x1] =	wrdreg $0xFFFFFFFF  }
0xc5: {  	_ =	task.clear_ibuf [dreg:s9], $0x2FFFF;
	_ =	strace $0x9FFFFFFF  }
0xc6: {  	(tm) =	ssettm $0x7FFFFFFF  }
0xc7: {  	_ =	shalt  }
tec
execute0_lowered:
.L_overlay_start_1:
0x0: {  	(tag) =	ssettag $0x1  }
0x1: {  	s1 =	rddreg [dreg:$0x0]  }
0x2: {  	s2 =	rddreg [dreg:$0x1]  }
0x3: {  	s5 =	rddreg [dreg:$0x2]  }
0x4: {  	s6 =	rddreg [dreg:$0x3]  }
0x5: {  	s0 =	rddreg [dreg:$0x4];
	s7 =	srdreg.scid  }
0x6: {  	s4 =	simm.s32 $0x0;
	s3 =	stileid.u32;
	s11 =	simm.s32 $0x1  }
0x7: {  	v0 =	vlaneseq.u32;
	s12 =	simm.s32 $0x2;
	s13 =	simm.s32 $0x3;
	s14 =	simm.s32 $0x6800  }
0x8: {  	s15 =	simm.s32 $0x6880;
	s16 =	simm.s32 $0x4;
	s7 =	sand.u32 $0x1, s7;
	v0 =	vmul.u32 $0x80, v0  }
0x9: {  	s17 =	simm.s32 $0x5;
	s8 =	sshll.u32 s3, $0x8;
	s9 =	sshll.u32 s7, $0x7  }
0xa: {  	[smem:$0x7FF] =	sst s4;
	s7 =	ssub.s32 $0x2, s7;
	s8 =	sor.u32 s9, s8;
	v1 =	vor.u32 $0x1, v0;
	v2 =	vor.u32 $0x800, v0;
	v3 =	vor.u32 $0x801, v0  }
0xb: {  	_ =	strace $0x80000047;
	s10 =	sshrl.u32 s7, $0x1;
	v4 =	vor.u32 $0x1000, v0;
	v5 =	vor.u32 $0x1001, v0;
	v6 =	vor.u32 $0x1800, v0;
	s9 =	sshrl.u32 s8, $0x3  }
0xc: {  	v7 =	vor.u32 $0x1801, v0;
	v8 =	vor.u32 $0x2000, v0;
	v9 =	vor.u32 $0x2001, v0;
	s8 =	sshll.u32 s8, $0x4;
	s10 =	ssub.s32 s7, s10;
	s9 =	sadd.s32 s9, s6  }
0xd: {  	v10 =	vor.u32 $0x2800, v0;
	v11 =	vor.u32 $0x2801, v0;
	v12 =	vor.u32 $0x3000, v0;
	s5 =	sadd.s32 s5, s8;
	s8 =	smax.u32 s10, $0x1;
	s10 =	simm.s32 $0x2800  }
0xe: {  	v13 =	vor.u32 $0x3001, v0;
	v14 =	vor.u32 $0x3800, v0;
	v15 =	vor.u32 $0x3801, v0;
	s6 =	sadd.s32 $0x800, s9;
	s7 =	sadd.s32 $0xA00, s9;
	s9 =	simm.s32 $0x1400  }
.LBB2_1:
0xf: {  	[tilespmem:s4], [sflag:$0x1] =	stream.linear.gather [hbm4b:s1+s4], $0x1400, $0x38;
	[tilespmem:$0x6900] =	vst v63  }
0x10: {  	_ = 	snop  }
0x11: {  	[tilespmem:s9], [sflag:$0x2] =	stream.linear.gather [hbm4b:s2+s4], $0x1400, $0x38;
	[tilespmem:$0x6900] =	vst v63  }
0x12: {  	_ = 	snop  }
0x13: {  	[tilespmem:s10], [sflag:$0x3] =	stream.linear.gather [hbm4b:s5+s4], $0x4000, $0x38;
	[tilespmem:$0x6900] =	vst v63  }
0x14: {  	_ =	swait.ge [sflag:s11], $0x1400  }
0x15: {  	[sflag:s11] =	ssyncset.done $0x0  }
0x16: {  	[sflag:s11] =	ssyncadd.s32 $0xFFFFEC00  }
0x17: {  	_ =	swait.ge [sflag:s12], $0x1400  }
0x18: {  	[sflag:s12] =	ssyncset.done $0x0  }
0x19: {  	[sflag:s12] =	ssyncadd.s32 $0xFFFFEC00  }
0x1a: {  	_ =	swait.ge [sflag:s13], $0x4000  }
0x1b: {  	[sflag:s13] =	ssyncset.done $0x0  }
0x1c: {  	[sflag:s13] =	ssyncadd.s32 $0xFFFFC000  }
0x1d: {  	v16 =	vld.idx.msk [tilespmem:v0+s10+$0x0], $0xffff  }
0x1e: {  	v17 =	vld.idx.msk [tilespmem:v1+s10+$0x0], $0xffff;
	_ =	sdelay $0x6  }
0x1f: {  	v16 =	vld.idx.msk [tilespmem:v16+s4+$0x0], $0xffff  }
0x20: {  	v18 =	vld.idx.msk [tilespmem:v17+s4+$0x0], $0xffff  }
0x21: {  	v17 =	vld.idx.msk [tilespmem:v17+s9+$0x0], $0xffff;
	_ =	sdelay $0x3  }
0x22: {  	v16 =	vmul.f32 v18, v16  }
0x23: {  	[tilespmem:$0x6880] =	vst v17  }
0x24: {  	[tilespmem:$0x6800] =	vst v16  }
0x25: {  	v16 =	vld.idx.msk [tilespmem:v2+s10+$0x0], $0xffff  }
0x26: {  	v17 =	vld.idx.msk [tilespmem:v3+s10+$0x0], $0xffff;
	_ =	sdelay $0x6  }
0x27: {  	v16 =	vld.idx.msk [tilespmem:v16+s4+$0x0], $0xffff  }
0x28: {  	v57 =	vld.idx.msk [tilespmem:v17+s4+$0x0], $0xffff  }
0x29: {  	v17 =	vld.idx.msk [tilespmem:v17+s9+$0x0], $0xffff;
	_ =	sdelay $0x3  }
0x2a: {  	v16 =	vmul.f32 v57, v16  }
0x2b: {  	[tilespmem:$0x6890] =	vst v17  }
0x2c: {  	[tilespmem:$0x6810] =	vst v16  }
0x2d: {  	v16 =	vld.idx.msk [tilespmem:v4+s10+$0x0], $0xffff  }
0x2e: {  	v17 =	vld.idx.msk [tilespmem:v5+s10+$0x0], $0xffff;
	_ =	sdelay $0x6  }
0x2f: {  	v16 =	vld.idx.msk [tilespmem:v16+s4+$0x0], $0xffff  }
0x30: {  	v58 =	vld.idx.msk [tilespmem:v17+s4+$0x0], $0xffff  }
0x31: {  	v17 =	vld.idx.msk [tilespmem:v17+s9+$0x0], $0xffff;
	_ =	sdelay $0x3  }
0x32: {  	v16 =	vmul.f32 v58, v16  }
0x33: {  	[tilespmem:$0x68A0] =	vst v17  }
0x34: {  	[tilespmem:$0x6820] =	vst v16  }
0x35: {  	v16 =	vld.idx.msk [tilespmem:v6+s10+$0x0], $0xffff  }
0x36: {  	v17 =	vld.idx.msk [tilespmem:v7+s10+$0x0], $0xffff;
	_ =	sdelay $0x6  }
0x37: {  	v16 =	vld.idx.msk [tilespmem:v16+s4+$0x0], $0xffff  }
0x38: {  	v59 =	vld.idx.msk [tilespmem:v17+s4+$0x0], $0xffff  }
0x39: {  	v17 =	vld.idx.msk [tilespmem:v17+s9+$0x0], $0xffff;
	_ =	sdelay $0x3  }
0x3a: {  	v16 =	vmul.f32 v59, v16  }
0x3b: {  	[tilespmem:$0x68B0] =	vst v17  }
0x3c: {  	[tilespmem:$0x6830] =	vst v16  }
0x3d: {  	v16 =	vld.idx.msk [tilespmem:v8+s10+$0x0], $0xffff  }
0x3e: {  	v17 =	vld.idx.msk [tilespmem:v9+s10+$0x0], $0xffff;
	_ =	sdelay $0x6  }
0x3f: {  	v16 =	vld.idx.msk [tilespmem:v16+s4+$0x0], $0xffff  }
0x40: {  	v60 =	vld.idx.msk [tilespmem:v17+s4+$0x0], $0xffff  }
0x41: {  	v17 =	vld.idx.msk [tilespmem:v17+s9+$0x0], $0xffff;
	_ =	sdelay $0x3  }
0x42: {  	v16 =	vmul.f32 v60, v16  }
0x43: {  	[tilespmem:$0x68C0] =	vst v17  }
0x44: {  	[tilespmem:$0x6840] =	vst v16  }
0x45: {  	v16 =	vld.idx.msk [tilespmem:v10+s10+$0x0], $0xffff  }
0x46: {  	v17 =	vld.idx.msk [tilespmem:v11+s10+$0x0], $0xffff;
	_ =	sdelay $0x6  }
0x47: {  	v16 =	vld.idx.msk [tilespmem:v16+s4+$0x0], $0xffff  }
0x48: {  	v61 =	vld.idx.msk [tilespmem:v17+s4+$0x0], $0xffff  }
0x49: {  	v17 =	vld.idx.msk [tilespmem:v17+s9+$0x0], $0xffff;
	_ =	sdelay $0x3  }
0x4a: {  	v16 =	vmul.f32 v61, v16  }
0x4b: {  	[tilespmem:$0x68D0] =	vst v17  }
0x4c: {  	[tilespmem:$0x6850] =	vst v16  }
0x4d: {  	v16 =	vld.idx.msk [tilespmem:v12+s10+$0x0], $0xffff  }
0x4e: {  	v17 =	vld.idx.msk [tilespmem:v13+s10+$0x0], $0xffff;
	_ =	sdelay $0x6  }
0x4f: {  	v16 =	vld.idx.msk [tilespmem:v16+s4+$0x0], $0xffff  }
0x50: {  	v62 =	vld.idx.msk [tilespmem:v17+s4+$0x0], $0xffff  }
0x51: {  	v17 =	vld.idx.msk [tilespmem:v17+s9+$0x0], $0xffff;
	_ =	sdelay $0x3  }
0x52: {  	v16 =	vmul.f32 v62, v16  }
0x53: {  	[tilespmem:$0x68E0] =	vst v17  }
0x54: {  	[tilespmem:$0x6860] =	vst v16  }
0x55: {  	v16 =	vld.idx.msk [tilespmem:v14+s10+$0x0], $0xffff  }
0x56: {  	v17 =	vld.idx.msk [tilespmem:v15+s10+$0x0], $0xffff;
	_ =	sdelay $0x6  }
0x57: {  	v16 =	vld.idx.msk [tilespmem:v16+s4+$0x0], $0xffff  }
0x58: {  	v63 =	vld.idx.msk [tilespmem:v17+s4+$0x0], $0xffff  }
0x59: {  	v17 =	vld.idx.msk [tilespmem:v17+s9+$0x0], $0xffff;
	_ =	sdelay $0x3  }
0x5a: {  	v16 =	vmul.f32 v63, v16  }
0x5b: {  	[tilespmem:$0x68F0] =	vst v17  }
0x5c: {  	[tilespmem:$0x6870] =	vst v16  }
0x5d: {  	[hbm4b:s6+s4] =	stream.linear.scatter [tilespmem:s14], [sflag:$0x4], $0x80, $0x38;
	[tilespmem:$0x6900] =	vst v63  }
0x5e: {  	_ = 	snop  }
0x5f: {  	[hbm4b:s7+s4] =	stream.linear.scatter [tilespmem:s15], [sflag:$0x5], $0x80, $0x38;
	[tilespmem:$0x6900] =	vst v63  }
0x60: {  	p0 =	sne.s32 s8, $0x1;
	_ =	swait.ge [sflag:s16], $0x80  }
.Ltmp0:
0x61: {  	[sflag:s16] =	ssyncset.done $0x0;
	(pc) =	sbr.rel @p0 .LBB2_1-.Ltmp0, $4  }
0x62: {  	[sflag:s16] =	ssyncadd.s32 $0xFFFFFF80  }
0x63: {  	_ =	swait.ge [sflag:s17], $0x80  }
0x64: {  	[sflag:s17] =	ssyncset.done $0x0  }
0x65: {  	s8 =	sadd.s32 $0xFFFFFFFF, s8;
	[sflag:s17] =	ssyncadd.s32 $0xFFFFFF80  }
0x66: {  	_ =	sfence.sel $0x180000  }
0x67: {  	[bflag:$0x0] =	sbarrier.arrive $0xFFFF  }
0x68: {  	p0 =	sne.s32 s3, $0x0;
	_ =	strace $0x90000047  }
0x69: {  	s0 =	sadd.s32 @!p0 $0x100000, s0;
	[bflag:$0x2] =	sbarrier.arrive $0xFFFF  }
0x6a: {  	[sflag:s0] =	ssyncadd.tile.s32 @!p0 $0x1;
	_ =	shalt  }
.Lfunc_end2:
_tile_overlayer_lowered:
.L_overlay_start_2:
0x6b: {  	(tag) =	ssettag $0x2  }
0x6c: {  	s0 =	rddreg [dreg:$0x0];
	s2 =	stileid.u32  }
0x6d: {  	s1 =	rddreg [dreg:$0x1];
	p0 =	sne.s32 s2, $0x0  }
0x6e: {  	s3 =	rddreg [dreg:$0x2];
	[bflag:$0x3] =	sbarrier.arrive $0xFFFF;
	s2 =	simm.s32 @!p0 $0x1C06  }
0x6f: {  	[timem:s3], [sflag:s2] =	dma.local @!p0 [hbm:s0], s1  }
0x70: {  	s0 =	simm.s32 @!p0 $0x6  }
0x71: {  	_ =	swait.ge @!p0 [sflag:s0], s1  }
0x72: {  	s1 =	ssub.s32 @!p0 $0x0, s1;
	[sflag:s0] =	ssyncset.done @!p0 $0x0  }
0x73: {  	[sflag:s0] =	ssyncadd.s32 @!p0 s1  }
0x74: {  	[bflag:$0x3] =	sbarrier.arrive $0xFFFF  }
0x75: {  	_ =	shalt  }

</sc_bundles>
